<compile_context>
chip_gen: v7x
topology: tpu7x:2x2x1
jax: 0.10.2.dev20260603
libtpu: 0.0.44.dev20260713+nightly
codegen_flags: <defaults>
</compile_context>

<pallas_src>
import functools

import jax
import jax.numpy as jnp
from jax import lax
from jax.experimental import pallas as pl
from jax.experimental.pallas import tpu as pltpu
from jax.experimental.pallas import tpu_sc as plsc

_CHUNK = 128
_NBUF = 4


@jax.jit
def _gather_rows(weight, idx3d):
    NW, rows_per_w, _ = idx3d.shape
    B = NW * rows_per_w * _CHUNK
    V, D = weight.shape

    mesh = plsc.VectorSubcoreMesh(core_axis_name="c", subcore_axis_name="s")
    NC = mesh.num_cores
    NS = mesh.num_subcores
    assert NW == NC * NS

    @functools.partial(
        pl.kernel,
        out_type=jax.ShapeDtypeStruct((B, D), jnp.float32),
        mesh=mesh,
        scratch_types=[
            pltpu.VMEM((rows_per_w, _CHUNK), jnp.int32),
            pltpu.VMEM((_NBUF, _CHUNK, D), jnp.float32),
            pltpu.SemaphoreType.DMA,
            pltpu.SemaphoreType.DMA,
            pltpu.SemaphoreType.DMA,
        ],
    )
    def k(table_hbm, idx_hbm, out_hbm, idx_v, rows_v, isem, gsem, wsem):
        wid = lax.axis_index("s") * NC + lax.axis_index("c")
        out_base = wid * rows_per_w * _CHUNK

        pltpu.async_copy(idx_hbm.at[wid], idx_v, isem).wait()

        def fire_gather(j):
            pltpu.async_copy(
                table_hbm.at[idx_v.at[j]], rows_v.at[lax.rem(j, _NBUF)], gsem
            )

        def out_slice(j):
            return out_hbm.at[pl.ds(out_base + j * _CHUNK, _CHUNK)]

        for p in range(_NBUF - 1):
            fire_gather(p)

        def body(j, _):
            slot = lax.rem(j, _NBUF)

            @pl.when(j >= 1)
            def _():
                pltpu.make_async_copy(
                    rows_v.at[slot], out_slice(j), wsem
                ).wait()

            @pl.when(j + _NBUF - 1 < rows_per_w)
            def _():
                fire_gather(j + _NBUF - 1)

            pltpu.make_async_copy(
                table_hbm.at[idx_v.at[j]], rows_v.at[slot], gsem
            ).wait()
            pltpu.async_copy(rows_v.at[slot], out_slice(j), wsem)
            return 0

        lax.fori_loop(0, rows_per_w, body, 0)
        pltpu.make_async_copy(
            rows_v.at[lax.rem(rows_per_w - 1, _NBUF)],
            out_slice(rows_per_w - 1),
            wsem,
        ).wait()

    return k(weight, idx3d)


def kernel(token_ids, weight):
    Bt, S = token_ids.shape
    V, D = weight.shape
    idx = token_ids.reshape(-1).astype(jnp.int32)
    idx3d = idx.reshape(32, -1, _CHUNK)
    out = _gather_rows(weight, idx3d)
    return out.reshape(Bt, S, D)

# --- scband reference (transcript-rebuilt; emitter-appended) ---
"""Pipeline reference for scband-embedding-65317862638407 (READ-ONLY COPY).

The authoritative reference and input builder live on the scoring server;
editing this copy changes nothing except your own understanding.
"""

import jax, jax.numpy as jnp
import numpy as np

VOCAB_SIZE = 100000
D_MODEL = 128

def setup_inputs(seed: int = 0) -> dict:
    key = jax.random.key(seed)
    k1, k2 = jax.random.split(key)
    token_ids = jax.random.randint(k1, (4096, 50), 0, VOCAB_SIZE, dtype=jnp.int64 if jax.config.jax_enable_x64 else jnp.int32)
    weight = jax.random.normal(k2, (VOCAB_SIZE, D_MODEL), dtype=jnp.float32) * (1.0 / np.sqrt(D_MODEL))
    return {"token_ids": token_ids, "weight": weight}

def reference(token_ids, weight):
    # Faithful translation of: return self.weight[token_ids]
    return jnp.take(weight, token_ids, axis=0)

if __name__ == "__main__":
    import jax
    _d = setup_inputs()
    print(jax.jit(kernel)(*tuple(_d.values())))

</pallas_src>

<mosaic_0001>
#map = affine_map<(d0, d1) -> (0, 0)>
#map1 = affine_map<(d0, d1) -> (0, 0, 0)>
module attributes {stable_mosaic.version = 14 : i64} {
  func.func @k(%arg0: i32, %arg1: i32, %arg2: memref<100000x128xf32, #tpu.memory_space<hbm>>, %arg3: memref<32x50x128xi32, #tpu.memory_space<hbm>>, %arg4: memref<204800x128xf32, #tpu.memory_space<hbm>>, %arg5: memref<50x128xi32, #tpu.memory_space<vmem>>, %arg6: memref<4x128x128xf32, #tpu.memory_space<vmem>>, %arg7: memref<!tpu.dma_semaphore, #tpu.memory_space<semaphore_mem>>, %arg8: memref<!tpu.dma_semaphore, #tpu.memory_space<semaphore_mem>>, %arg9: memref<!tpu.dma_semaphore, #tpu.memory_space<semaphore_mem>>) attributes {dimension_semantics = [#tpu.dimension_semantics<core_parallel>, #tpu.dimension_semantics<subcore_parallel>], iteration_bounds = array<i64: 2, 16>, scalar_prefetch = 0 : i64, scratch_operands = 5 : i64, tpu.core_type = #tpu.core_type<sc_vector_subcore>, window_params = [{transform_indices = #map}, {transform_indices = #map1}, {transform_indices = #map}]} {
    %mul3A = arith.constant 2 : i32
    %mul3A_0 = arith.muli %arg1, %mul3A : i32
    %add3A = arith.addi %mul3A_0, %arg0 : i32
    %mul3A_1 = arith.constant 50 : i32
    %mul3A_2 = arith.muli %add3A, %mul3A_1 : i32
    %mul3A_3 = arith.constant 128 : i32
    %mul3A_4 = arith.muli %mul3A_2, %mul3A_3 : i32
    %dma_start3A = arith.constant 0 : i32
    %dma_start3A_5 = arith.constant 0 : i32
    %dma_start3A_6 = tpu.memref_slice %arg3[%add3A, %dma_start3A, %dma_start3A_5] : memref<32x50x128xi32, #tpu.memory_space<hbm>> -> memref<1x50x128xi32, #tpu.memory_space<hbm>>
    %dma_start3A_7 = tpu.memref_squeeze %dma_start3A_6 : memref<1x50x128xi32, #tpu.memory_space<hbm>> -> memref<50x128xi32, #tpu.memory_space<hbm>>
    %dma_start3A_8 = arith.constant 0 : i32
    %dma_start3A_9 = arith.constant 0 : i32
    %dma_start3A_10 = tpu.memref_slice %arg3[%add3A, %dma_start3A_8, %dma_start3A_9] : memref<32x50x128xi32, #tpu.memory_space<hbm>> -> memref<1x50x128xi32, #tpu.memory_space<hbm>>
    %dma_start3A_11 = tpu.memref_squeeze %dma_start3A_10 : memref<1x50x128xi32, #tpu.memory_space<hbm>> -> memref<50x128xi32, #tpu.memory_space<hbm>>
    tpu.enqueue_dma source(%dma_start3A_11 : memref<50x128xi32, #tpu.memory_space<hbm>>) target(%arg5 : memref<50x128xi32, #tpu.memory_space<vmem>>) target_semaphore(%arg7 : memref<!tpu.dma_semaphore, #tpu.memory_space<semaphore_mem>>)
    %dma_wait3A = arith.constant 0 : i32
    %dma_wait3A_12 = arith.constant 0 : i32
    %dma_wait3A_13 = tpu.memref_slice %arg3[%add3A, %dma_wait3A, %dma_wait3A_12] : memref<32x50x128xi32, #tpu.memory_space<hbm>> -> memref<1x50x128xi32, #tpu.memory_space<hbm>>
    %dma_wait3A_14 = tpu.memref_squeeze %dma_wait3A_13 : memref<1x50x128xi32, #tpu.memory_space<hbm>> -> memref<50x128xi32, #tpu.memory_space<hbm>>
    %dma_wait3A_15 = arith.constant 0 : i32
    %dma_wait3A_16 = arith.constant 0 : i32
    %dma_wait3A_17 = tpu.memref_slice %arg3[%add3A, %dma_wait3A_15, %dma_wait3A_16] : memref<32x50x128xi32, #tpu.memory_space<hbm>> -> memref<1x50x128xi32, #tpu.memory_space<hbm>>
    %dma_wait3A_18 = tpu.memref_squeeze %dma_wait3A_17 : memref<1x50x128xi32, #tpu.memory_space<hbm>> -> memref<50x128xi32, #tpu.memory_space<hbm>>
    tpu.wait_dma2 semaphore(%arg7 : memref<!tpu.dma_semaphore, #tpu.memory_space<semaphore_mem>>) src(%dma_wait3A_18 : memref<50x128xi32, #tpu.memory_space<hbm>>) dst(%arg5 : memref<50x128xi32, #tpu.memory_space<vmem>>)
    %rem3A = arith.constant 0 : i32
    %rem3A_19 = arith.constant 4 : i32
    %rem3A_20 = arith.remsi %rem3A, %rem3A_19 : i32
    %dma_start3A_21 = arith.constant 0 : i32
    %dma_start3A_22 = arith.constant 0 : i32
    %dma_start3A_23 = arith.constant 0 : i32
    %dma_start3A_24 = tpu.memref_slice %arg6[%rem3A_20, %dma_start3A_22, %dma_start3A_23] : memref<4x128x128xf32, #tpu.memory_space<vmem>> -> memref<1x128x128xf32, #tpu.memory_space<vmem>>
    %dma_start3A_25 = tpu.memref_squeeze %dma_start3A_24 : memref<1x128x128xf32, #tpu.memory_space<vmem>> -> memref<128x128xf32, #tpu.memory_space<vmem>>
    %dma_start3A_26 = arith.constant 0 : i32
    %dma_start3A_27 = tpu.memref_slice %arg5[%dma_start3A_21, %dma_start3A_26] : memref<50x128xi32, #tpu.memory_space<vmem>> -> memref<1x128xi32, #tpu.memory_space<vmem>>
    %dma_start3A_28 = tpu.memref_squeeze %dma_start3A_27 : memref<1x128xi32, #tpu.memory_space<vmem>> -> memref<128xi32, #tpu.memory_space<vmem>>
    %dma_start3A_29 = arith.constant 0 : i32
    %dma_start3A_30 = arith.constant 0 : i32
    %dma_start3A_31 = tpu.memref_slice %arg2[%dma_start3A_29, %dma_start3A_30] : memref<100000x128xf32, #tpu.memory_space<hbm>> -> memref<100000x128xf32, #tpu.memory_space<hbm>>
    tpu.enqueue_indirect_dma source(%dma_start3A_31 : memref<100000x128xf32, #tpu.memory_space<hbm>>) target(%dma_start3A_25 : memref<128x128xf32, #tpu.memory_space<vmem>>) offsets(%dma_start3A_28 : memref<128xi32, #tpu.memory_space<vmem>>) semaphore(%arg8 : memref<!tpu.dma_semaphore, #tpu.memory_space<semaphore_mem>>)
    %rem3A_32 = arith.constant 1 : i32
    %rem3A_33 = arith.constant 4 : i32
    %rem3A_34 = arith.remsi %rem3A_32, %rem3A_33 : i32
    %dma_start3A_35 = arith.constant 1 : i32
    %dma_start3A_36 = arith.constant 0 : i32
    %dma_start3A_37 = arith.constant 0 : i32
    %dma_start3A_38 = tpu.memref_slice %arg6[%rem3A_34, %dma_start3A_36, %dma_start3A_37] : memref<4x128x128xf32, #tpu.memory_space<vmem>> -> memref<1x128x128xf32, #tpu.memory_space<vmem>>
    %dma_start3A_39 = tpu.memref_squeeze %dma_start3A_38 : memref<1x128x128xf32, #tpu.memory_space<vmem>> -> memref<128x128xf32, #tpu.memory_space<vmem>>
    %dma_start3A_40 = arith.constant 0 : i32
    %dma_start3A_41 = tpu.memref_slice %arg5[%dma_start3A_35, %dma_start3A_40] : memref<50x128xi32, #tpu.memory_space<vmem>> -> memref<1x128xi32, #tpu.memory_space<vmem>>
    %dma_start3A_42 = tpu.memref_squeeze %dma_start3A_41 : memref<1x128xi32, #tpu.memory_space<vmem>> -> memref<128xi32, #tpu.memory_space<vmem>>
    %dma_start3A_43 = arith.constant 0 : i32
    %dma_start3A_44 = arith.constant 0 : i32
    %dma_start3A_45 = tpu.memref_slice %arg2[%dma_start3A_43, %dma_start3A_44] : memref<100000x128xf32, #tpu.memory_space<hbm>> -> memref<100000x128xf32, #tpu.memory_space<hbm>>
    tpu.enqueue_indirect_dma source(%dma_start3A_45 : memref<100000x128xf32, #tpu.memory_space<hbm>>) target(%dma_start3A_39 : memref<128x128xf32, #tpu.memory_space<vmem>>) offsets(%dma_start3A_42 : memref<128xi32, #tpu.memory_space<vmem>>) semaphore(%arg8 : memref<!tpu.dma_semaphore, #tpu.memory_space<semaphore_mem>>)
    %rem3A_46 = arith.constant 2 : i32
    %rem3A_47 = arith.constant 4 : i32
    %rem3A_48 = arith.remsi %rem3A_46, %rem3A_47 : i32
    %dma_start3A_49 = arith.constant 2 : i32
    %dma_start3A_50 = arith.constant 0 : i32
    %dma_start3A_51 = arith.constant 0 : i32
    %dma_start3A_52 = tpu.memref_slice %arg6[%rem3A_48, %dma_start3A_50, %dma_start3A_51] : memref<4x128x128xf32, #tpu.memory_space<vmem>> -> memref<1x128x128xf32, #tpu.memory_space<vmem>>
    %dma_start3A_53 = tpu.memref_squeeze %dma_start3A_52 : memref<1x128x128xf32, #tpu.memory_space<vmem>> -> memref<128x128xf32, #tpu.memory_space<vmem>>
    %dma_start3A_54 = arith.constant 0 : i32
    %dma_start3A_55 = tpu.memref_slice %arg5[%dma_start3A_49, %dma_start3A_54] : memref<50x128xi32, #tpu.memory_space<vmem>> -> memref<1x128xi32, #tpu.memory_space<vmem>>
    %dma_start3A_56 = tpu.memref_squeeze %dma_start3A_55 : memref<1x128xi32, #tpu.memory_space<vmem>> -> memref<128xi32, #tpu.memory_space<vmem>>
    %dma_start3A_57 = arith.constant 0 : i32
    %dma_start3A_58 = arith.constant 0 : i32
    %dma_start3A_59 = tpu.memref_slice %arg2[%dma_start3A_57, %dma_start3A_58] : memref<100000x128xf32, #tpu.memory_space<hbm>> -> memref<100000x128xf32, #tpu.memory_space<hbm>>
    tpu.enqueue_indirect_dma source(%dma_start3A_59 : memref<100000x128xf32, #tpu.memory_space<hbm>>) target(%dma_start3A_53 : memref<128x128xf32, #tpu.memory_space<vmem>>) offsets(%dma_start3A_56 : memref<128xi32, #tpu.memory_space<vmem>>) semaphore(%arg8 : memref<!tpu.dma_semaphore, #tpu.memory_space<semaphore_mem>>)
    %scan3A = arith.constant 0 : i32
    %scan3A_60 = arith.constant 0 : i32
    %scan3A_61 = arith.constant 50 : i32
    %scan3A_62 = arith.addi %scan3A_60, %scan3A_61 : i32
    %scan3A_63 = arith.constant 1 : i32
    %scan3A_64 = scf.for %scan3A_83 = %scan3A_60 to %scan3A_62 step %scan3A_63 iter_args(%scan3A_84 = %scan3A) -> (i32)  : i32 {
      %rem3A_85 = arith.constant 4 : i32
      %rem3A_86 = arith.remsi %scan3A_83, %rem3A_85 : i32
      %ge3A = arith.constant 1 : i32
      %ge3A_87 = arith.cmpi sge, %scan3A_83, %ge3A : i32
      %convert_element_type3A = arith.extui %ge3A_87 : i1 to i32
      %cond3A = arith.constant 0 : i32
      %cond3A_88 = arith.cmpi ne, %convert_element_type3A, %cond3A : i32
      scf.if %cond3A_88 {
        %mul3A_122 = arith.constant 128 : i32
        %mul3A_123 = arith.muli %scan3A_83, %mul3A_122 : i32
        %add3A_124 = arith.addi %mul3A_4, %mul3A_123 : i32
        %dma_wait3A_125 = arith.constant 0 : i32
        %dma_wait3A_126 = arith.constant 0 : i32
        %dma_wait3A_127 = tpu.memref_slice %arg6[%rem3A_86, %dma_wait3A_125, %dma_wait3A_126] : memref<4x128x128xf32, #tpu.memory_space<vmem>> -> memref<1x128x128xf32, #tpu.memory_space<vmem>>
        %dma_wait3A_128 = tpu.memref_squeeze %dma_wait3A_127 : memref<1x128x128xf32, #tpu.memory_space<vmem>> -> memref<128x128xf32, #tpu.memory_space<vmem>>
        %dma_wait3A_129 = arith.constant 0 : i32
        %dma_wait3A_130 = tpu.memref_slice %arg4[%add3A_124, %dma_wait3A_129] : memref<204800x128xf32, #tpu.memory_space<hbm>> -> memref<128x128xf32, #tpu.memory_space<hbm>>
        %dma_wait3A_131 = arith.constant 0 : i32
        %dma_wait3A_132 = tpu.memref_slice %arg4[%add3A_124, %dma_wait3A_131] : memref<204800x128xf32, #tpu.memory_space<hbm>> -> memref<128x128xf32, #tpu.memory_space<hbm>>
        %dma_wait3A_133 = arith.constant 0 : i32
        %dma_wait3A_134 = arith.constant 0 : i32
        %dma_wait3A_135 = tpu.memref_slice %arg6[%rem3A_86, %dma_wait3A_133, %dma_wait3A_134] : memref<4x128x128xf32, #tpu.memory_space<vmem>> -> memref<1x128x128xf32, #tpu.memory_space<vmem>>
        %dma_wait3A_136 = tpu.memref_squeeze %dma_wait3A_135 : memref<1x128x128xf32, #tpu.memory_space<vmem>> -> memref<128x128xf32, #tpu.memory_space<vmem>>
        tpu.wait_dma2 semaphore(%arg9 : memref<!tpu.dma_semaphore, #tpu.memory_space<semaphore_mem>>) src(%dma_wait3A_136 : memref<128x128xf32, #tpu.memory_space<vmem>>) dst(%dma_wait3A_132 : memref<128x128xf32, #tpu.memory_space<hbm>>)
      } else {
      }
      %add3A_89 = arith.constant 4 : i32
      %add3A_90 = arith.addi %scan3A_83, %add3A_89 : i32
      %sub3A = arith.constant 1 : i32
      %sub3A_91 = arith.subi %add3A_90, %sub3A : i32
      %lt3A = arith.constant 50 : i32
      %lt3A_92 = arith.cmpi slt, %sub3A_91, %lt3A : i32
      %convert_element_type3A_93 = arith.extui %lt3A_92 : i1 to i32
      %cond3A_94 = arith.constant 0 : i32
      %cond3A_95 = arith.cmpi ne, %convert_element_type3A_93, %cond3A_94 : i32
      scf.if %cond3A_95 {
        %add3A_122 = arith.constant 4 : i32
        %add3A_123 = arith.addi %scan3A_83, %add3A_122 : i32
        %sub3A_124 = arith.constant 1 : i32
        %sub3A_125 = arith.subi %add3A_123, %sub3A_124 : i32
        %rem3A_126 = arith.constant 4 : i32
        %rem3A_127 = arith.remsi %sub3A_125, %rem3A_126 : i32
        %dma_start3A_128 = arith.constant 0 : i32
        %dma_start3A_129 = arith.constant 0 : i32
        %dma_start3A_130 = tpu.memref_slice %arg6[%rem3A_127, %dma_start3A_128, %dma_start3A_129] : memref<4x128x128xf32, #tpu.memory_space<vmem>> -> memref<1x128x128xf32, #tpu.memory_space<vmem>>
        %dma_start3A_131 = tpu.memref_squeeze %dma_start3A_130 : memref<1x128x128xf32, #tpu.memory_space<vmem>> -> memref<128x128xf32, #tpu.memory_space<vmem>>
        %dma_start3A_132 = arith.constant 0 : i32
        %dma_start3A_133 = tpu.memref_slice %arg5[%sub3A_125, %dma_start3A_132] : memref<50x128xi32, #tpu.memory_space<vmem>> -> memref<1x128xi32, #tpu.memory_space<vmem>>
        %dma_start3A_134 = tpu.memref_squeeze %dma_start3A_133 : memref<1x128xi32, #tpu.memory_space<vmem>> -> memref<128xi32, #tpu.memory_space<vmem>>
        %dma_start3A_135 = arith.constant 0 : i32
        %dma_start3A_136 = arith.constant 0 : i32
        %dma_start3A_137 = tpu.memref_slice %arg2[%dma_start3A_135, %dma_start3A_136] : memref<100000x128xf32, #tpu.memory_space<hbm>> -> memref<100000x128xf32, #tpu.memory_space<hbm>>
        tpu.enqueue_indirect_dma source(%dma_start3A_137 : memref<100000x128xf32, #tpu.memory_space<hbm>>) target(%dma_start3A_131 : memref<128x128xf32, #tpu.memory_space<vmem>>) offsets(%dma_start3A_134 : memref<128xi32, #tpu.memory_space<vmem>>) semaphore(%arg8 : memref<!tpu.dma_semaphore, #tpu.memory_space<semaphore_mem>>)
      } else {
      }
      %dma_wait3A_96 = arith.constant 0 : i32
      %dma_wait3A_97 = arith.constant 0 : i32
      %dma_wait3A_98 = tpu.memref_slice %arg6[%rem3A_86, %dma_wait3A_96, %dma_wait3A_97] : memref<4x128x128xf32, #tpu.memory_space<vmem>> -> memref<1x128x128xf32, #tpu.memory_space<vmem>>
      %dma_wait3A_99 = tpu.memref_squeeze %dma_wait3A_98 : memref<1x128x128xf32, #tpu.memory_space<vmem>> -> memref<128x128xf32, #tpu.memory_space<vmem>>
      %dma_wait3A_100 = arith.constant 0 : i32
      %dma_wait3A_101 = tpu.memref_slice %arg5[%scan3A_83, %dma_wait3A_100] : memref<50x128xi32, #tpu.memory_space<vmem>> -> memref<1x128xi32, #tpu.memory_space<vmem>>
      %dma_wait3A_102 = tpu.memref_squeeze %dma_wait3A_101 : memref<1x128xi32, #tpu.memory_space<vmem>> -> memref<128xi32, #tpu.memory_space<vmem>>
      %dma_wait3A_103 = arith.constant 0 : i32
      %dma_wait3A_104 = arith.constant 0 : i32
      %dma_wait3A_105 = tpu.memref_slice %arg2[%dma_wait3A_103, %dma_wait3A_104] : memref<100000x128xf32, #tpu.memory_space<hbm>> -> memref<100000x128xf32, #tpu.memory_space<hbm>>
      tpu.wait_indirect_dma semaphore(%arg8 : memref<!tpu.dma_semaphore, #tpu.memory_space<semaphore_mem>>) src(%dma_wait3A_105 : memref<100000x128xf32, #tpu.memory_space<hbm>>) dst(%dma_wait3A_99 : memref<128x128xf32, #tpu.memory_space<vmem>>)
      %mul3A_106 = arith.constant 128 : i32
      %mul3A_107 = arith.muli %scan3A_83, %mul3A_106 : i32
      %add3A_108 = arith.addi %mul3A_4, %mul3A_107 : i32
      %dma_start3A_109 = arith.constant 0 : i32
      %dma_start3A_110 = arith.constant 0 : i32
      %dma_start3A_111 = tpu.memref_slice %arg6[%rem3A_86, %dma_start3A_109, %dma_start3A_110] : memref<4x128x128xf32, #tpu.memory_space<vmem>> -> memref<1x128x128xf32, #tpu.memory_space<vmem>>
      %dma_start3A_112 = tpu.memref_squeeze %dma_start3A_111 : memref<1x128x128xf32, #tpu.memory_space<vmem>> -> memref<128x128xf32, #tpu.memory_space<vmem>>
      %dma_start3A_113 = arith.constant 0 : i32
      %dma_start3A_114 = tpu.memref_slice %arg4[%add3A_108, %dma_start3A_113] : memref<204800x128xf32, #tpu.memory_space<hbm>> -> memref<128x128xf32, #tpu.memory_space<hbm>>
      %dma_start3A_115 = arith.constant 0 : i32
      %dma_start3A_116 = tpu.memref_slice %arg4[%add3A_108, %dma_start3A_115] : memref<204800x128xf32, #tpu.memory_space<hbm>> -> memref<128x128xf32, #tpu.memory_space<hbm>>
      %dma_start3A_117 = arith.constant 0 : i32
      %dma_start3A_118 = arith.constant 0 : i32
      %dma_start3A_119 = tpu.memref_slice %arg6[%rem3A_86, %dma_start3A_117, %dma_start3A_118] : memref<4x128x128xf32, #tpu.memory_space<vmem>> -> memref<1x128x128xf32, #tpu.memory_space<vmem>>
      %dma_start3A_120 = tpu.memref_squeeze %dma_start3A_119 : memref<1x128x128xf32, #tpu.memory_space<vmem>> -> memref<128x128xf32, #tpu.memory_space<vmem>>
      tpu.enqueue_dma source(%dma_start3A_120 : memref<128x128xf32, #tpu.memory_space<vmem>>) target(%dma_start3A_116 : memref<128x128xf32, #tpu.memory_space<hbm>>) target_semaphore(%arg9 : memref<!tpu.dma_semaphore, #tpu.memory_space<semaphore_mem>>)
      %scan3A_121 = arith.constant 0 : i32
      scf.yield %scan3A_121 : i32
    }
    %scan3A_65 = arith.constant 50 : i32
    %rem3A_66 = arith.constant 49 : i32
    %rem3A_67 = arith.constant 4 : i32
    %rem3A_68 = arith.remsi %rem3A_66, %rem3A_67 : i32
    %add3A_69 = arith.constant 6272 : i32
    %add3A_70 = arith.addi %mul3A_4, %add3A_69 : i32
    %dma_wait3A_71 = arith.constant 0 : i32
    %dma_wait3A_72 = arith.constant 0 : i32
    %dma_wait3A_73 = tpu.memref_slice %arg6[%rem3A_68, %dma_wait3A_71, %dma_wait3A_72] : memref<4x128x128xf32, #tpu.memory_space<vmem>> -> memref<1x128x128xf32, #tpu.memory_space<vmem>>
    %dma_wait3A_74 = tpu.memref_squeeze %dma_wait3A_73 : memref<1x128x128xf32, #tpu.memory_space<vmem>> -> memref<128x128xf32, #tpu.memory_space<vmem>>
    %dma_wait3A_75 = arith.constant 0 : i32
    %dma_wait3A_76 = tpu.memref_slice %arg4[%add3A_70, %dma_wait3A_75] : memref<204800x128xf32, #tpu.memory_space<hbm>> -> memref<128x128xf32, #tpu.memory_space<hbm>>
    %dma_wait3A_77 = arith.constant 0 : i32
    %dma_wait3A_78 = tpu.memref_slice %arg4[%add3A_70, %dma_wait3A_77] : memref<204800x128xf32, #tpu.memory_space<hbm>> -> memref<128x128xf32, #tpu.memory_space<hbm>>
    %dma_wait3A_79 = arith.constant 0 : i32
    %dma_wait3A_80 = arith.constant 0 : i32
    %dma_wait3A_81 = tpu.memref_slice %arg6[%rem3A_68, %dma_wait3A_79, %dma_wait3A_80] : memref<4x128x128xf32, #tpu.memory_space<vmem>> -> memref<1x128x128xf32, #tpu.memory_space<vmem>>
    %dma_wait3A_82 = tpu.memref_squeeze %dma_wait3A_81 : memref<1x128x128xf32, #tpu.memory_space<vmem>> -> memref<128x128xf32, #tpu.memory_space<vmem>>
    tpu.wait_dma2 semaphore(%arg9 : memref<!tpu.dma_semaphore, #tpu.memory_space<semaphore_mem>>) src(%dma_wait3A_82 : memref<128x128xf32, #tpu.memory_space<vmem>>) dst(%dma_wait3A_78 : memref<128x128xf32, #tpu.memory_space<hbm>>)
    return
  }
}

</mosaic_0001>

<sc_bundles>
// kernel: _gather_rows.3.cloned.1.call-start
scs
__scs_entry_jumppad:
0x0: {  	(pc) =	sbr.rel $0x88, $3  }
0x1: {  	(tag) =	ssettag $0x0;
	lr =	simm.s32 $0x1  }
0x2: {  	[smem:$0x3F9F] =	sst lr;
	_ =	strace $0xD0000000  }
0x3: {  	_ = 	snop  }
0x4: {  	_ = 	snop  }
0x5: {  	_ = 	snop  }
0x6: {  	_ = 	snop  }
0x7: {  	_ = 	snop  }
__scs_overlays_trampoline_lowered:
0x8: {  	[smem:$0x3FAE] =	sst s0  }
0x9: {  	[smem:$0x3FAF] =	sst s1  }
0xa: {  	[smem:$0x3FB0] =	sst s2  }
0xb: {  	[smem:$0x3FB1] =	sst s3  }
0xc: {  	[smem:$0x3FB2] =	sst s4  }
0xd: {  	[smem:$0x3FB3] =	sst s5  }
0xe: {  	[smem:$0x3FB4] =	sst s6  }
0xf: {  	[smem:$0x3FB5] =	sst s7  }
0x10: {  	[smem:$0x3FB6] =	sst s8  }
0x11: {  	[smem:$0x3FB7] =	sst s9;
	s0 =	simm.s32 @!p0 $0x0  }
0x12: {  	s1 =	sld [smem:$0x3F9D];
	s0 =	simm.s32 @p0 $0x1  }
0x13: {  	[smem:$0x3FB8] =	sst s0;
	s0 =	simm.s32 @!p1 $0x0  }
0x14: {  	s2 =	sld [smem:$0x3F9C];
	s0 =	simm.s32 @p1 $0x1  }
0x15: {  	[smem:$0x3FB9] =	sst s0;
	s0 =	simm.s32 @!p2 $0x0  }
0x16: {  	s3 =	sld [smem:$0x3FDB];
	s0 =	simm.s32 @p2 $0x1  }
0x17: {  	s4 =	simm.s32 $0x1BF5;
	[smem:$0x3FBB] =	sst s0  }
0x18: {  	s0 =	sld [smem:$0x3F9E];
	_ =	swait.ge [sflag:s4], $0x0  }
0x19: {  	s7 =	sld [smem:$0x3F9F]  }
0x1a: {  	s8 =	sadd.s32 $0xFFFFE003, lr  }
0x1b: {  	s9 =	sadd.s32 $0xFFFFFEF7, lr;
	s5 =	simm.s32 $0xFFFFFFFF;
	p2 =	slt.u32 s8, $0xFFFFF086  }
0x1c: {  	p1 =	slt.u32 s9, $0xF7A;
	s5 =	simm.s32 @!p2 $0x0  }
0x1d: {  	s5 =	simm.s32 @p1 $0x1;
	p0 =	seq.s32 s7, s2  }
0x1e: {  	s7 =	smul.u32 @!p0 $0xF7A, s2;
	p2 =	seq.s32 @!p0 s5, $0x0  }
0x1f: {  	s9 =	smul.u32 $0xF7A, s1;
	s8 =	simm.s32 @!p0 $0x1BF5;
	p2 =	por !p2, p0  }
0x20: {  	[sflag:s8] =	ssyncset.s32 @!p0 $0xFFFFF086;
	s6 =	sadd.s32 @!p0 s3, s7;
	s7 =	simm.s32 @!p0 $0x108  }
0x21: {  	s3 =	sadd.s32 s3, s9;
	s6 =	sadd.s32 @!p0 $0x88, s6;
	s7 =	simm.s32 @p2 $0x1082  }
0x22: {  	[simem:s7], [sflag:s8] =	dma.local @!p0 [hbm:s6], $0xF7A  }
0x23: {  	s9 =	sor.u32 $0xD0000000, s2;
	s6 =	simm.s32 $0x108;
	_ =	swait.ge @!p0 [sflag:s8], $0x0  }
0x24: {  	s3 =	sadd.s32 $0x88, s3;
	s6 =	simm.s32 @!p1 $0x1082;
	[sflag:s4] =	ssyncset.s32 $0xFFFFF086  }
0x25: {  	[simem:s6], [sflag:s4] =	dma.local [hbm:s3], $0xF7A  }
0x26: {  	[smem:$0x3F9F] =	sst s1;
	(tag) =	ssettag s2;
	_ =	strace s9  }
0x27: {  	s1 =	sld [smem:$0x3FAF]  }
0x28: {  	s2 =	sld [smem:$0x3FB0]  }
0x29: {  	s4 =	sld [smem:$0x3FB2]  }
0x2a: {  	p0 =	seq.s32 s5, $0x0;
	s5 =	sld [smem:$0x3FB3]  }
0x2b: {  	s6 =	sld [smem:$0x3FB4]  }
0x2c: {  	s7 =	sld [smem:$0x3FB5]  }
0x2d: {  	s3 =	simm.s32 $0x108;
	s8 =	sld [smem:$0x3FB6]  }
0x2e: {  	s3 =	simm.s32 @!p0 $0x1082;
	s9 =	sld [smem:$0x3FB7]  }
0x2f: {  	lr =	sadd.s32 s0, s3;
	s0 =	sld [smem:$0x3FAE]  }
0x30: {  	s3 =	sld [smem:$0x3FB1]  }
0x31: {  	[smem:$0x3FBA] =	sst s10  }
0x32: {  	s10 =	sld [smem:$0x3FB8];
	_ =	sdelay $0x3  }
0x33: {  	p0 =	seq.s32 s10, $0x1;
	s10 =	sld [smem:$0x3FBA];
	_ =	sdelay $0x3  }
0x34: {  	[smem:$0x3FBA] =	sst s10  }
0x35: {  	s10 =	sld [smem:$0x3FB9];
	_ =	sdelay $0x3  }
0x36: {  	p1 =	seq.s32 s10, $0x1;
	s10 =	sld [smem:$0x3FBA];
	_ =	sdelay $0x3  }
0x37: {  	[smem:$0x3FBA] =	sst s10  }
0x38: {  	s10 =	sld [smem:$0x3FBB]  }
0x39: {  	_ = 	snop;
	(pc) =	sbr.ind lr, $3  }
0x3a: {  	_ = 	snop  }
0x3b: {  	_ = 	snop  }
0x3c: {  	p2 =	seq.s32 s10, $0x1;
	s10 =	sld [smem:$0x3FBA]  }
0x3d: {  	_ =	shalt  }
0x3e: {  	_ =	shalt  }
0x3f: {  	_ =	shalt  }
0x40: {  	_ =	shalt  }
0x41: {  	_ =	shalt  }
0x42: {  	_ =	shalt  }
0x43: {  	_ =	shalt  }
0x44: {  	_ =	shalt  }
0x45: {  	_ =	shalt  }
0x46: {  	_ =	shalt  }
0x47: {  	_ =	shalt  }
0x48: {  	_ =	shalt  }
0x49: {  	_ =	shalt  }
0x4a: {  	_ =	shalt  }
0x4b: {  	_ =	shalt  }
0x4c: {  	_ =	shalt  }
0x4d: {  	_ =	shalt  }
0x4e: {  	_ =	shalt  }
0x4f: {  	_ =	shalt  }
0x50: {  	_ =	shalt  }
0x51: {  	_ =	shalt  }
0x52: {  	_ =	shalt  }
0x53: {  	_ =	shalt  }
0x54: {  	_ =	shalt  }
0x55: {  	_ =	shalt  }
0x56: {  	_ =	shalt  }
0x57: {  	_ =	shalt  }
0x58: {  	_ =	shalt  }
0x59: {  	_ =	shalt  }
0x5a: {  	_ =	shalt  }
0x5b: {  	_ =	shalt  }
0x5c: {  	_ =	shalt  }
0x5d: {  	_ =	shalt  }
0x5e: {  	_ =	shalt  }
0x5f: {  	_ =	shalt  }
0x60: {  	_ =	shalt  }
0x61: {  	_ =	shalt  }
0x62: {  	_ =	shalt  }
0x63: {  	_ =	shalt  }
0x64: {  	_ =	shalt  }
0x65: {  	_ =	shalt  }
0x66: {  	_ =	shalt  }
0x67: {  	_ =	shalt  }
0x68: {  	_ =	shalt  }
0x69: {  	_ =	shalt  }
0x6a: {  	_ =	shalt  }
0x6b: {  	_ =	shalt  }
0x6c: {  	_ =	shalt  }
0x6d: {  	_ =	shalt  }
0x6e: {  	_ =	shalt  }
0x6f: {  	_ =	shalt  }
0x70: {  	_ =	shalt  }
0x71: {  	_ =	shalt  }
0x72: {  	_ =	shalt  }
0x73: {  	_ =	shalt  }
0x74: {  	_ =	shalt  }
0x75: {  	_ =	shalt  }
0x76: {  	_ =	shalt  }
0x77: {  	_ =	shalt  }
0x78: {  	_ =	shalt  }
0x79: {  	_ =	shalt  }
0x7a: {  	_ =	shalt  }
0x7b: {  	_ =	shalt  }
0x7c: {  	_ =	shalt  }
0x7d: {  	_ =	shalt  }
0x7e: {  	_ =	shalt  }
0x7f: {  	_ =	shalt  }
0x80: {  	_ =	shalt  }
0x81: {  	_ =	shalt  }
0x82: {  	_ =	shalt  }
0x83: {  	_ =	shalt  }
0x84: {  	_ =	shalt  }
0x85: {  	_ =	shalt  }
0x86: {  	_ =	shalt  }
0x87: {  	_ =	shalt  }
.Lfunc_end0:
.L_simem_size_0:
called_computation_lowered:
.L_overlay_start_0:
0x88: {  	s2 =	sld [smem:$0x3FD9]  }
0x89: {  	s3 =	sld [smem:$0x3FFE];
	_ =	sdelay $0x1  }
0x8a: {  	s1 =	srdreg.scid  }
0x8b: {  	s0 =	sand.u32 $0x1, s1  }
0x8c: {  	s17 =	sshll.u32 s0, $0xA;
	s2 =	sadd.s32 s3, s2  }
0x8d: {  	s2 =	sadd.s32 s2, s17  }
0x8e: {  	[smem:$0x3FC6] =	sst s2  }
0x8f: {  	_ = 	snop  }
0x90: {  	s2 =	sld [smem:$0x3FC9]  }
0x91: {  	s18 =	sld [smem:$0x3FD0];
	(tm) =	ssettm $0x1  }
0x92: {  	s4 =	sld [smem:$0x3FFB];
	_ =	sdelay $0x3  }
0x93: {  	_ =	strace s4  }
0x94: {  	s4 =	sld [smem:$0x3FFC];
	_ =	sdelay $0x3  }
0x95: {  	_ =	strace s4  }
0x96: {  	s4 =	sld [smem:$0x3FFD];
	_ =	sdelay $0x3  }
0x97: {  	_ =	strace s4  }
0x98: {  	_ =	strace $0x8FFFFFFF  }
0x99: {  	s19 =	sld [smem:$0x3FDB];
	_ =	sdelay $0x1  }
0x9a: {  	s5 =	simm.s32 $_scs_section_size  }
0x9b: {  	s6 =	simm.s32 $_size__tile_overlayer_lowered;
	s7 =	simm.s32 $_tile_overlayer_lowered  }
0x9c: {  	s22 =	simm.s32 $0x1BFF;
	s21 =	sshll.u32 s7, $0x1;
	s4 =	sadd.s32 s5, s19  }
0x9d: {  	s8 =	simm.s32 $0x0;
	s20 =	sshll.u32 s6, $0x1;
	s6 =	sadd.s32 s21, s4  }
0x9e: {  	[timem:s8], [sflag:s22] =	dma.local [hbm:s6], s20  }
0x9f: {  	_ =	swait.ge [sflag:s22], s20  }
0xa0: {  	s5 =	ssub.s32 $0x0, s20;
	[sflag:s22] =	ssyncset.done $0x0  }
0xa1: {  	[sflag:s22] =	ssyncadd.s32 s5;
	_ =	sdelay $0x1  }
0xa2: {  	s23 =	simm.s32 $0x1B8B  }
0xa3: {  	_ =	swait.ge [sflag:s23], $0x1  }
0xa4: {  	[sflag:s23] =	ssyncset.done $0x0  }
0xa5: {  	s25 =	simm.s32 $0x1B8E;
	s24 =	sld [smem:$0x3FFE];
	[sflag:s23] =	ssyncadd.s32 $0xFFFFFFFF  }
0xa6: {  	s26 =	simm.s32 $execute0_lowered;
	[smem:$0x3FD2] =	sst s25  }
0xa7: {  	s6 =	sshll.u32 s26, $0x1;
	_ =	strace $0x80000046;
	[dreg:$0x1] =	wrdreg $0xFFFFFFFF  }
0xa8: {  	s28 =	simm.s32 $_size_execute0_lowered;
	s4 =	sadd.s32 s4, s6;
	[dreg:$0x0] =	wrdreg $0x0  }
0xa9: {  	s6 =	sshll.u32 s28, $0x1;
	[dreg:$0x2] =	wrdreg s4  }
0xaa: {  	[dreg:$0x3] =	wrdreg s6  }
0xab: {  	[dreg:$0x4] =	wrdreg $0xC0  }
0xac: {  	_ =	task [dreg:s8], $0x5FFFF  }
0xad: {  	[dreg:$0x1] =	wrdreg $0xFFFFFFFF  }
0xae: {  	[dreg:$0x0] =	wrdreg $0x60  }
0xaf: {  	[dreg:$0x2] =	wrdreg s2  }
0xb0: {  	[dreg:$0x3] =	wrdreg s24  }
0xb1: {  	[dreg:$0x4] =	wrdreg s18  }
0xb2: {  	[dreg:$0x5] =	wrdreg $0x9  }
0xb3: {  	_ =	task.clear_ibuf [dreg:s8], $0x6FFFF;
	_ =	strace $0x90000046  }
0xb4: {  	s29 =	simm.s32 $0x9;
	_ =	strace $0x80000048  }
0xb5: {  	_ =	swait.ge [sflag:s29], $0x1  }
0xb6: {  	[sflag:s29] =	ssyncadd.s32 $0xFFFFFFFF  }
0xb7: {  	_ =	strace $0x90000048  }
0xb8: {  	_ =	sfence  }
0xb9: {  	s30 =	sld [smem:$0x0];
	_ =	sdelay $0x2  }
0xba: {  	s31 =	sshll.u32 s1, $0xD;
	s1 =	sshrl.u32 s1, $0x2  }
0xbb: {  	s3 =	sand.u32 $0x4000, s31;
	s1 =	sadd.s32 s1, s30  }
0xbc: {  	s0 =	sor.u32 s3, s0;
	s1 =	sshll.u32 s1, $0x11  }
0xbd: {  	s0 =	sor.u32 s1, s0  }
0xbe: {  	s0 =	sadd.s32 $0x8F2B, s0  }
0xbf: {  	[sflag:s0] =	ssyncadd.remote.s32 $0x1  }
0xc0: {  	_ =	sfence.sel $0xFFFF  }
0xc1: {  	[dreg:$0x0] =	wrdreg $0xFFFFFFFF;
	(pc) =	sbr.abs _section_cstart, $3  }
0xc2: {  	[dreg:$0x1] =	wrdreg $0xFFFFFFFF  }
0xc3: {  	_ =	task.clear_ibuf [dreg:s8], $0x2FFFF;
	_ =	strace $0x9FFFFFFF  }
0xc4: {  	(tm) =	ssettm $0x7FFFFFFF  }
0xc5: {  	_ =	shalt  }
tec
execute0_lowered:
.L_overlay_start_1:
0x0: {  	(tag) =	ssettag $0x1  }
0x1: {  	s1 =	rddreg [dreg:$0x0]  }
0x2: {  	s2 =	srdreg.scid;
	s5 =	rddreg [dreg:$0x1]  }
0x3: {  	s0 =	stileid.u32;
	s7 =	rddreg [dreg:$0x2]  }
0x4: {  	s3 =	simm.s32 $0x0;
	s11 =	simm.s32 $0x100;
	s12 =	simm.s32 $0x9C00  }
0x5: {  	s13 =	simm.s32 $0x180;
	s14 =	simm.s32 $0xDC00;
	s15 =	simm.s32 $0x2  }
0x6: {  	s16 =	simm.s32 $0x3;
	s17 =	simm.s32 $0x0;
	s4 =	sand.u32 $0x1, s2  }
0x7: {  	s29 =	sshll.u32 s0, $0x1;
	s2 =	rddreg [dreg:$0x3];
	s9 =	smul.u32 $0x190000, s0  }
0x8: {  	[smem:$0x7FF] =	sst s3;
	s6 =	sor.u32 s4, s29;
	s10 =	smul.u32 $0xC8000, s4  }
0x9: {  	_ =	strace $0x80000047;
	s4 =	ssub.s32 $0x2, s4;
	s8 =	smul.u32 $0x380, s6  }
0xa: {  	s30 =	sshrl.u32 s4, $0x1;
	s6 =	smul.u32 $0xC8000, s6;
	s9 =	sadd.s32 s10, s9  }
0xb: {  	s10 =	simm.s32 $0x5C00;
	s5 =	sadd.s32 s8, s5;
	s8 =	ssub.s32 s4, s30  }
0xc: {  	s9 =	sor.u32 $0x4000, s9;
	s6 =	sshrl.u32 s6, $0x3;
	s4 =	sadd.s32 $0x400, s5  }
0xd: {  	s5 =	smax.u32 s8, $0x1;
	s31 =	sshrl.u32 s9, $0x3;
	s6 =	sadd.s32 s7, s6  }
0xe: {  	s8 =	simm.s32 $0x80;
	s9 =	simm.s32 $0x1C00;
	s7 =	sadd.s32 s31, s7  }
.LBB2_1:
0xf: {  	[tilespmem:s3], [sflag:$0x1] =	stream.linear.gather [hbm4b:s4+s3], $0x1900, $0x38;
	[tilespmem:$0x11C00] =	vst v63  }
0x10: {  	s18 =	simm.s32 $0x1  }
0x11: {  	_ =	swait.ge [sflag:s18], $0x1900  }
0x12: {  	[sflag:s18] =	ssyncset.done $0x0  }
0x13: {  	[sflag:s18] =	ssyncadd.s32 $0xFFFFE700  }
0x14: {  	[tilespmem:s9], [sflag:$0x2] =	stream.indirect.gather [hbm4b:s1+s8], $0x80, s3, s8, $0xb8;
	[tilespmem:$0x11C00] =	vst v63  }
0x15: {  	_ = 	snop  }
0x16: {  	[tilespmem:s10], [sflag:$0x2] =	stream.indirect.gather [hbm4b:s1+s8], $0x80, s8, s8, $0xb8;
	[tilespmem:$0x11C00] =	vst v63  }
0x17: {  	_ = 	snop  }
0x18: {  	[tilespmem:s12], [sflag:$0x2] =	stream.indirect.gather [hbm4b:s1+s8], $0x80, s11, s8, $0xb8;
	[tilespmem:$0x11C00] =	vst v63  }
0x19: {  	_ = 	snop  }
0x1a: {  	[tilespmem:s14], [sflag:$0x2] =	stream.indirect.gather [hbm4b:s1+s8], $0x80, s13, s8, $0xb8;
	[tilespmem:$0x11C00] =	vst v63  }
0x1b: {  	_ =	swait.ge [sflag:s15], $0x4000  }
0x1c: {  	s19 =	simm.s32 $0x40000;
	s20 =	simm.s32 $0x200;
	[sflag:s15] =	ssyncset.done $0x0  }
0x1d: {  	p0 =	por $0x0, $0x0;
	s21 =	simm.s32 $0x10000;
	[sflag:s15] =	ssyncadd.s32 $0xFFFFC000  }
0x1e: {  	[hbm4b:s6+s3] =	stream.linear.scatter [tilespmem:s9], [sflag:$0x3], $0x4000, $0x38;
	[tilespmem:$0x11C00] =	vst v63  }
0x1f: {  	s19 =	sand.u32 @!p0 $0x30000, s19;
	s22 =	simm.s32 @!p0 $0x80;
	_ =	swait.ge [sflag:s16], $0x4000  }
0x20: {  	s31 =	sand.u32 $0x30000, s21;
	s19 =	sshrl.u32 @!p0 s19, $0x2;
	[sflag:s16] =	ssyncset.done $0x0  }
0x21: {  	s21 =	sshrl.u32 s31, $0x2;
	s19 =	sor.u32 @!p0 $0x1C00, s19;
	[sflag:s16] =	ssyncadd.s32 $0xFFFFC000  }
0x22: {  	[tilespmem:s19], [sflag:$0x2] =	stream.indirect.gather @!p0 [hbm4b:s1+s22], $0x80, s20, s22, $0xb8;
	[tilespmem:$0x11C00] =	vst v63  }
0x23: {  	s18 =	simm.s32 $0x2;
	s23 =	sor.u32 $0x1C00, s21;
	_ =	swait.ge [sflag:s15], $0x4000  }
0x24: {  	s21 =	sadd.s32 $0x800, s7;
	s19 =	simm.s32 $0x280;
	[sflag:s15] =	ssyncset.done $0x0  }
0x25: {  	s20 =	simm.s32 $0x50000;
	s22 =	smov.u32 s7;
	[sflag:s15] =	ssyncadd.s32 $0xFFFFC000  }
.LBB2_2:
0x26: {  	[hbm4b:s22+s3] =	stream.linear.scatter [tilespmem:s23], [sflag:$0x3], $0x4000, $0x38;
	[tilespmem:$0x11C00] =	vst v63  }
0x27: {  	s23 =	smov.u32 s19;
	s22 =	smov.u32 s21  }
0x28: {  	p0 =	sgt.u32 s18, $0x2E;
	s18 =	sadd.s32 $0x1, s18;
	s19 =	sadd.s32 $0x80, s19  }
0x29: {  	s25 =	sadd.s32 $0xFFFD0000, s20;
	s24 =	sand.u32 @!p0 $0x30000, s20;
	_ =	swait.ge [sflag:s16], $0x4000  }
0x2a: {  	s26 =	simm.s32 @!p0 $0x80;
	s24 =	sshrl.u32 @!p0 s24, $0x2;
	[sflag:s16] =	ssyncset.done $0x0  }
0x2b: {  	s24 =	sor.u32 @!p0 $0x1C00, s24;
	[sflag:s16] =	ssyncadd.s32 $0xFFFFC000  }
0x2c: {  	[tilespmem:s24], [sflag:$0x2] =	stream.indirect.gather @!p0 [hbm4b:s1+s26], $0x80, s23, s26, $0xb8;
	[tilespmem:$0x11C00] =	vst v63  }
0x2d: {  	p0 =	sne.s32 s18, $0x32  }
.Ltmp0:
0x2e: {  	_ = 	snop;
	(pc) =	sbr.rel @p0 .LBB2_2-.Ltmp0, $4  }
0x2f: {  	_ = 	snop  }
0x30: {  	s23 =	sand.u32 $0x30000, s25;
	_ =	swait.ge [sflag:s15], $0x4000  }
0x31: {  	s20 =	sadd.s32 $0x10000, s20;
	s23 =	sshrl.u32 s23, $0x2;
	[sflag:s15] =	ssyncset.done $0x0  }
0x32: {  	s21 =	sadd.s32 $0x800, s21;
	s23 =	sor.u32 $0x1C00, s23;
	[sflag:s15] =	ssyncadd.s32 $0xFFFFC000  }
0x33: {  	s17 =	sadd.s32 $0x1, s17  }
0x34: {  	p0 =	sne.s32 s17, s5  }
.Ltmp1:
0x35: {  	_ = 	snop;
	(pc) =	sbr.rel @p0 .LBB2_1-.Ltmp1, $4  }
0x36: {  	[hbm4b:s22+s3] =	stream.linear.scatter [tilespmem:s23], [sflag:$0x3], $0x4000, $0x38;
	[tilespmem:$0x11C00] =	vst v63  }
0x37: {  	_ =	swait.ge [sflag:s16], $0x4000  }
0x38: {  	[sflag:s16] =	ssyncset.done $0x0  }
0x39: {  	[sflag:s16] =	ssyncadd.s32 $0xFFFFC000  }
0x3a: {  	_ =	sfence.sel $0x180000  }
0x3b: {  	[bflag:$0x0] =	sbarrier.arrive $0xFFFF  }
0x3c: {  	p0 =	sne.s32 s0, $0x0;
	_ =	strace $0x90000047  }
0x3d: {  	s0 =	sadd.s32 @!p0 $0x100000, s2;
	[bflag:$0x2] =	sbarrier.arrive $0xFFFF  }
0x3e: {  	[sflag:s0] =	ssyncadd.tile.s32 @!p0 $0x1;
	_ =	shalt  }
.Lfunc_end2:
_tile_overlayer_lowered:
.L_overlay_start_2:
0x3f: {  	(tag) =	ssettag $0x2  }
0x40: {  	s0 =	rddreg [dreg:$0x0];
	s2 =	stileid.u32  }
0x41: {  	s1 =	rddreg [dreg:$0x1];
	p0 =	sne.s32 s2, $0x0  }
0x42: {  	s3 =	rddreg [dreg:$0x2];
	[bflag:$0x3] =	sbarrier.arrive $0xFFFF;
	s2 =	simm.s32 @!p0 $0x1C04  }
0x43: {  	[timem:s3], [sflag:s2] =	dma.local @!p0 [hbm:s0], s1  }
0x44: {  	s0 =	simm.s32 @!p0 $0x4  }
0x45: {  	_ =	swait.ge @!p0 [sflag:s0], s1  }
0x46: {  	s1 =	ssub.s32 @!p0 $0x0, s1;
	[sflag:s0] =	ssyncset.done @!p0 $0x0  }
0x47: {  	[sflag:s0] =	ssyncadd.s32 @!p0 s1  }
0x48: {  	[bflag:$0x3] =	sbarrier.arrive $0xFFFF  }
0x49: {  	_ =	shalt  }

</sc_bundles>
